<compile_context>
chip_gen: v7x
topology: tpu7x:2x2x1
jax: 0.10.2.dev20260603
libtpu: 0.0.44.dev20260713+nightly
codegen_flags: <defaults>
</compile_context>

<pallas_src>
import functools

import jax
import jax.numpy as jnp
from jax import lax
from jax.experimental import pallas as pl
from jax.experimental.pallas import tpu as pltpu
from jax.experimental.pallas import tpu_sc as plsc

N_NODES = 10000
N_EDGES = 320000
D_IN = 128
D_OUT = 128

N_TILES = 32
COLS_PER_TILE = D_OUT // N_TILES
CHUNK = 8000
N_CHUNKS = N_EDGES // CHUNK
GROUPS_PER_CHUNK = CHUNK // 16
UNROLL = 1


def _mm_body(w_ref, x_ref, out_ref):
    out_ref[...] = lax.dot_general(
        w_ref[...], x_ref[...], (((1,), (1,)), ((), ())),
        preferred_element_type=jnp.float32)


def _matmul_T(W, x):
    return pl.pallas_call(
        _mm_body,
        out_shape=jax.ShapeDtypeStruct((D_OUT, N_NODES), jnp.float32),
    )(W, x)


def _tr_body(a_ref, out_ref):
    out_ref[...] = a_ref[...].T


def _transpose_back(aT):
    return pl.pallas_call(
        _tr_body,
        out_shape=jax.ShapeDtypeStruct((N_NODES, D_OUT), jnp.float32),
    )(aT)


def _sc_body(yT_hbm, src_hbm, tgt_hbm, w_hbm, outT_hbm,
             ycols, acc, src0, tgt0, w0, src1, tgt1, w1, sem0, sem1):
    wid = lax.axis_index("s") * 2 + lax.axis_index("c")
    base_word = wid * COLS_PER_TILE * N_NODES
    bufs = ((src0, tgt0, w0, sem0), (src1, tgt1, w1, sem1))

    def _issue(g, b):
        sv, tv, wv, sem = bufs[b]
        base = pl.multiple_of(g * CHUNK, 8)
        pltpu.async_copy(src_hbm.at[pl.ds(base, CHUNK)], sv, sem)
        pltpu.async_copy(tgt_hbm.at[pl.ds(base, CHUNK)], tv, sem)
        pltpu.async_copy(w_hbm.at[pl.ds(base, CHUNK)], wv, sem)

    def _drain(b):
        sv, tv, wv, sem = bufs[b]
        pltpu.make_async_copy(src_hbm.at[pl.ds(0, CHUNK)], sv, sem).wait()
        pltpu.make_async_copy(tgt_hbm.at[pl.ds(0, CHUNK)], tv, sem).wait()
        pltpu.make_async_copy(w_hbm.at[pl.ds(0, CHUNK)], wv, sem).wait()

    def _process(b):
        sv, tv, wv, _ = bufs[b]

        @plsc.parallel_loop(0, GROUPS_PER_CHUNK, unroll=UNROLL)
        def _group(j):
            off = j * 16
            s16 = sv[pl.ds(off, 16)]
            t16 = tv[pl.ds(off, 16)]
            w16 = wv[pl.ds(off, 16)]
            for c in range(COLS_PER_TILE):
                coff = c * N_NODES
                vals = plsc.load_gather(ycols, [s16 + coff]) * w16
                plsc.addupdate_scatter(acc, [t16 + coff], vals)

    pltpu.async_copy(yT_hbm.at[pl.ds(base_word, COLS_PER_TILE * N_NODES)],
                     ycols, sem1)
    _issue(0, 0)

    @plsc.parallel_loop(0, COLS_PER_TILE * N_NODES // 16, unroll=8)
    def _zero(i):
        acc[pl.ds(i * 16, 16)] = jnp.zeros((16,), jnp.float32)

    pltpu.make_async_copy(
        yT_hbm.at[pl.ds(base_word, COLS_PER_TILE * N_NODES)], ycols,
        sem1).wait()

    def _two_chunks(h, _):
        g0 = h * 2
        _drain(0)
        _issue(g0 + 1, 1)
        _process(0)
        _drain(1)

        @pl.when(g0 + 2 < N_CHUNKS)
        def _():
            _issue(g0 + 2, 0)
        _process(1)
        return 0
    lax.fori_loop(0, N_CHUNKS // 2, _two_chunks, 0)

    pltpu.sync_copy(acc, outT_hbm.at[pl.ds(base_word,
                                           COLS_PER_TILE * N_NODES)])


def _sc_scatter(yT, source, target, edge_weights):
    mesh = plsc.VectorSubcoreMesh(core_axis_name="c", subcore_axis_name="s")
    f = functools.partial(
        pl.kernel,
        out_type=jax.ShapeDtypeStruct((D_OUT * N_NODES,), jnp.float32),
        mesh=mesh,
        compiler_params=pltpu.CompilerParams(needs_layout_passes=False),
        scratch_types=[
            pltpu.VMEM((COLS_PER_TILE * N_NODES,), jnp.float32),
            pltpu.VMEM((COLS_PER_TILE * N_NODES,), jnp.float32),
            pltpu.VMEM((CHUNK,), jnp.int32),
            pltpu.VMEM((CHUNK,), jnp.int32),
            pltpu.VMEM((CHUNK,), jnp.float32),
            pltpu.VMEM((CHUNK,), jnp.int32),
            pltpu.VMEM((CHUNK,), jnp.int32),
            pltpu.VMEM((CHUNK,), jnp.float32),
            pltpu.SemaphoreType.DMA,
            pltpu.SemaphoreType.DMA,
        ],
    )(_sc_body)
    accT_flat = f(yT.reshape(-1), source, target, edge_weights)
    return accT_flat.reshape(D_OUT, N_NODES)


def kernel(x, source, target, edge_weights, W):
    yT = _matmul_T(W, x)
    accT = _sc_scatter(yT, source, target, edge_weights)
    return _transpose_back(accT)

# --- scband reference (transcript-rebuilt; emitter-appended) ---
"""Pipeline reference for scband-gcnblock-78460462563622 (READ-ONLY COPY).

The authoritative reference and input builder live on the scoring server;
editing this copy changes nothing except your own understanding.
"""

import jax, jax.numpy as jnp
import numpy as np

N_NODES = 10000
N_EDGES = 320000
D_IN = 128
D_OUT = 128


def setup_inputs(seed: int = 0) -> dict:
    key = jax.random.key(seed)
    k_x, k_src, k_tgt, k_w, k_ew = jax.random.split(key, 5)
    x = jax.random.normal(k_x, (N_NODES, D_IN), dtype=jnp.float32)
    source = jax.random.randint(k_src, (N_EDGES,), 0, N_NODES, dtype=jnp.int64 if jax.config.jax_enable_x64 else jnp.int32).astype(jnp.int32)
    target = jax.random.randint(k_tgt, (N_EDGES,), 0, N_NODES, dtype=jnp.int64 if jax.config.jax_enable_x64 else jnp.int32).astype(jnp.int32)
    edge_weights = jax.random.uniform(k_ew, (N_EDGES,), dtype=jnp.float32)
    # Linear layer weight (no bias), torch nn.Linear default init: U(-1/sqrt(fan_in), 1/sqrt(fan_in))
    bound = 1.0 / np.sqrt(D_IN)
    W = jax.random.uniform(k_w, (D_OUT, D_IN), dtype=jnp.float32, minval=-bound, maxval=bound)
    return {"x": x, "source": source, "target": target, "edge_weights": edge_weights, "W": W}


def reference(x, source, target, edge_weights, W):
    # LinearMessageCreator: apply linear to all node features, then gather by source
    y = x @ W.T  # (N, D_OUT)
    messages = jnp.take(y, source, axis=0)  # (E, D_OUT)
    # edge weighting in MessagePassingBlock.forward
    messages = messages * edge_weights[:, None]
    # SumAggregator: scatter-add messages into target nodes
    delta = jax.ops.segment_sum(messages, target, num_segments=x.shape[0])
    # OnlyUpdate: return delta
    return delta

if __name__ == "__main__":
    import jax
    _d = setup_inputs()
    print(jax.jit(kernel)(*tuple(_d.values())))

</pallas_src>

<mosaic_0001>
#map = affine_map<(d0, d1) -> (0)>
module attributes {stable_mosaic.version = 14 : i64} {
  func.func @_sc_body(%arg0: i32, %arg1: i32, %arg2: memref<1280000xf32, #tpu.memory_space<hbm>>, %arg3: memref<320000xi32, #tpu.memory_space<hbm>>, %arg4: memref<320000xi32, #tpu.memory_space<hbm>>, %arg5: memref<320000xf32, #tpu.memory_space<hbm>>, %arg6: memref<1280000xf32, #tpu.memory_space<hbm>>, %arg7: memref<40000xf32, #tpu.memory_space<vmem>>, %arg8: memref<40000xf32, #tpu.memory_space<vmem>>, %arg9: memref<8000xi32, #tpu.memory_space<vmem>>, %arg10: memref<8000xi32, #tpu.memory_space<vmem>>, %arg11: memref<8000xf32, #tpu.memory_space<vmem>>, %arg12: memref<8000xi32, #tpu.memory_space<vmem>>, %arg13: memref<8000xi32, #tpu.memory_space<vmem>>, %arg14: memref<8000xf32, #tpu.memory_space<vmem>>, %arg15: memref<!tpu.dma_semaphore, #tpu.memory_space<semaphore_mem>>, %arg16: memref<!tpu.dma_semaphore, #tpu.memory_space<semaphore_mem>>) attributes {dimension_semantics = [#tpu.dimension_semantics<core_parallel>, #tpu.dimension_semantics<subcore_parallel>], iteration_bounds = array<i64: 2, 16>, scalar_prefetch = 0 : i64, scratch_operands = 10 : i64, tpu.core_type = #tpu.core_type<sc_vector_subcore>, window_params = [{transform_indices = #map}, {transform_indices = #map}, {transform_indices = #map}, {transform_indices = #map}, {transform_indices = #map}]} {
    %mul3A = arith.constant 2 : i32
    %mul3A_0 = arith.muli %arg1, %mul3A : i32
    %add3A = arith.addi %mul3A_0, %arg0 : i32
    %mul3A_1 = arith.constant 4 : i32
    %mul3A_2 = arith.muli %add3A, %mul3A_1 : i32
    %mul3A_3 = arith.constant 10000 : i32
    %mul3A_4 = arith.muli %mul3A_2, %mul3A_3 : i32
    %dma_start3A = tpu.memref_slice %arg2[%mul3A_4] : memref<1280000xf32, #tpu.memory_space<hbm>> -> memref<40000xf32, #tpu.memory_space<hbm>>
    %dma_start3A_5 = tpu.memref_slice %arg2[%mul3A_4] : memref<1280000xf32, #tpu.memory_space<hbm>> -> memref<40000xf32, #tpu.memory_space<hbm>>
    tpu.enqueue_dma source(%dma_start3A_5 : memref<40000xf32, #tpu.memory_space<hbm>>) target(%arg7 : memref<40000xf32, #tpu.memory_space<vmem>>) target_semaphore(%arg16 : memref<!tpu.dma_semaphore, #tpu.memory_space<semaphore_mem>>)
    %multiple_of3A = arith.constant 0 : i32
    %multiple_of3A_6 = tpu.assume_multiple %multiple_of3A, 8 : i32
    %dma_start3A_7 = tpu.memref_slice %arg3[%multiple_of3A_6] : memref<320000xi32, #tpu.memory_space<hbm>> -> memref<8000xi32, #tpu.memory_space<hbm>>
    %dma_start3A_8 = tpu.memref_slice %arg3[%multiple_of3A_6] : memref<320000xi32, #tpu.memory_space<hbm>> -> memref<8000xi32, #tpu.memory_space<hbm>>
    tpu.enqueue_dma source(%dma_start3A_8 : memref<8000xi32, #tpu.memory_space<hbm>>) target(%arg9 : memref<8000xi32, #tpu.memory_space<vmem>>) target_semaphore(%arg15 : memref<!tpu.dma_semaphore, #tpu.memory_space<semaphore_mem>>)
    %dma_start3A_9 = tpu.memref_slice %arg4[%multiple_of3A_6] : memref<320000xi32, #tpu.memory_space<hbm>> -> memref<8000xi32, #tpu.memory_space<hbm>>
    %dma_start3A_10 = tpu.memref_slice %arg4[%multiple_of3A_6] : memref<320000xi32, #tpu.memory_space<hbm>> -> memref<8000xi32, #tpu.memory_space<hbm>>
    tpu.enqueue_dma source(%dma_start3A_10 : memref<8000xi32, #tpu.memory_space<hbm>>) target(%arg10 : memref<8000xi32, #tpu.memory_space<vmem>>) target_semaphore(%arg15 : memref<!tpu.dma_semaphore, #tpu.memory_space<semaphore_mem>>)
    %dma_start3A_11 = tpu.memref_slice %arg5[%multiple_of3A_6] : memref<320000xf32, #tpu.memory_space<hbm>> -> memref<8000xf32, #tpu.memory_space<hbm>>
    %dma_start3A_12 = tpu.memref_slice %arg5[%multiple_of3A_6] : memref<320000xf32, #tpu.memory_space<hbm>> -> memref<8000xf32, #tpu.memory_space<hbm>>
    tpu.enqueue_dma source(%dma_start3A_12 : memref<8000xf32, #tpu.memory_space<hbm>>) target(%arg11 : memref<8000xf32, #tpu.memory_space<vmem>>) target_semaphore(%arg15 : memref<!tpu.dma_semaphore, #tpu.memory_space<semaphore_mem>>)
    %parallel_loop3A = arith.constant 0 : i32
    %parallel_loop3A_13 = arith.constant 2500 : i32
    %parallel_loop3A_14 = arith.constant 1 : i32
    scf.for %parallel_loop3A_22 = %parallel_loop3A to %parallel_loop3A_13 step %parallel_loop3A_14  : i32 {
      %parallel_loop3A_23 = arith.constant 0.000000e+00 : f32
      %parallel_loop3A_24 = vector.broadcast %parallel_loop3A_23 : f32 to vector<16xf32>
      %parallel_loop3A_25 = arith.constant 16 : i32
      %parallel_loop3A_26 = arith.muli %parallel_loop3A_22, %parallel_loop3A_25 : i32
      %parallel_loop3A_27 = arith.index_cast %parallel_loop3A_26 : i32 to index
      %parallel_loop3A_28 = tpu.vector_load %arg8[%parallel_loop3A_27] {strides = array<i32>} : memref<40000xf32, #tpu.memory_space<vmem>>, vector<16xf32>,
      tpu.vector_store %arg8[%parallel_loop3A_27], %parallel_loop3A_24 {strides = array<i32>} : memref<40000xf32, #tpu.memory_space<vmem>>, vector<16xf32>,
    } {sc.loop_unroll_factor = 8 : i64, sc.parallel_access}
    %dma_wait3A = tpu.memref_slice %arg2[%mul3A_4] : memref<1280000xf32, #tpu.memory_space<hbm>> -> memref<40000xf32, #tpu.memory_space<hbm>>
    %dma_wait3A_15 = tpu.memref_slice %arg2[%mul3A_4] : memref<1280000xf32, #tpu.memory_space<hbm>> -> memref<40000xf32, #tpu.memory_space<hbm>>
    tpu.wait_dma2 semaphore(%arg16 : memref<!tpu.dma_semaphore, #tpu.memory_space<semaphore_mem>>) src(%dma_wait3A_15 : memref<40000xf32, #tpu.memory_space<hbm>>) dst(%arg7 : memref<40000xf32, #tpu.memory_space<vmem>>)
    %scan3A = arith.constant 0 : i32
    %scan3A_16 = arith.constant 0 : i32
    %scan3A_17 = arith.constant 20 : i32
    %scan3A_18 = arith.addi %scan3A_16, %scan3A_17 : i32
    %scan3A_19 = arith.constant 1 : i32
    %scan3A_20 = scf.for %scan3A_22 = %scan3A_16 to %scan3A_18 step %scan3A_19 iter_args(%scan3A_23 = %scan3A) -> (i32)  : i32 {
      %mul3A_24 = arith.constant 2 : i32
      %mul3A_25 = arith.muli %scan3A_22, %mul3A_24 : i32
      %dma_wait3A_26 = arith.constant 0 : i32
      %dma_wait3A_27 = tpu.memref_slice %arg3[%dma_wait3A_26] : memref<320000xi32, #tpu.memory_space<hbm>> -> memref<8000xi32, #tpu.memory_space<hbm>>
      %dma_wait3A_28 = arith.constant 0 : i32
      %dma_wait3A_29 = tpu.memref_slice %arg3[%dma_wait3A_28] : memref<320000xi32, #tpu.memory_space<hbm>> -> memref<8000xi32, #tpu.memory_space<hbm>>
      tpu.wait_dma2 semaphore(%arg15 : memref<!tpu.dma_semaphore, #tpu.memory_space<semaphore_mem>>) src(%dma_wait3A_29 : memref<8000xi32, #tpu.memory_space<hbm>>) dst(%arg9 : memref<8000xi32, #tpu.memory_space<vmem>>)
      %dma_wait3A_30 = arith.constant 0 : i32
      %dma_wait3A_31 = tpu.memref_slice %arg4[%dma_wait3A_30] : memref<320000xi32, #tpu.memory_space<hbm>> -> memref<8000xi32, #tpu.memory_space<hbm>>
      %dma_wait3A_32 = arith.constant 0 : i32
      %dma_wait3A_33 = tpu.memref_slice %arg4[%dma_wait3A_32] : memref<320000xi32, #tpu.memory_space<hbm>> -> memref<8000xi32, #tpu.memory_space<hbm>>
      tpu.wait_dma2 semaphore(%arg15 : memref<!tpu.dma_semaphore, #tpu.memory_space<semaphore_mem>>) src(%dma_wait3A_33 : memref<8000xi32, #tpu.memory_space<hbm>>) dst(%arg10 : memref<8000xi32, #tpu.memory_space<vmem>>)
      %dma_wait3A_34 = arith.constant 0 : i32
      %dma_wait3A_35 = tpu.memref_slice %arg5[%dma_wait3A_34] : memref<320000xf32, #tpu.memory_space<hbm>> -> memref<8000xf32, #tpu.memory_space<hbm>>
      %dma_wait3A_36 = arith.constant 0 : i32
      %dma_wait3A_37 = tpu.memref_slice %arg5[%dma_wait3A_36] : memref<320000xf32, #tpu.memory_space<hbm>> -> memref<8000xf32, #tpu.memory_space<hbm>>
      tpu.wait_dma2 semaphore(%arg15 : memref<!tpu.dma_semaphore, #tpu.memory_space<semaphore_mem>>) src(%dma_wait3A_37 : memref<8000xf32, #tpu.memory_space<hbm>>) dst(%arg11 : memref<8000xf32, #tpu.memory_space<vmem>>)
      %add3A_38 = arith.constant 1 : i32
      %add3A_39 = arith.addi %mul3A_25, %add3A_38 : i32
      %mul3A_40 = arith.constant 8000 : i32
      %mul3A_41 = arith.muli %add3A_39, %mul3A_40 : i32
      %multiple_of3A_42 = tpu.assume_multiple %mul3A_41, 8 : i32
      %dma_start3A_43 = tpu.memref_slice %arg3[%multiple_of3A_42] : memref<320000xi32, #tpu.memory_space<hbm>> -> memref<8000xi32, #tpu.memory_space<hbm>>
      %dma_start3A_44 = tpu.memref_slice %arg3[%multiple_of3A_42] : memref<320000xi32, #tpu.memory_space<hbm>> -> memref<8000xi32, #tpu.memory_space<hbm>>
      tpu.enqueue_dma source(%dma_start3A_44 : memref<8000xi32, #tpu.memory_space<hbm>>) target(%arg12 : memref<8000xi32, #tpu.memory_space<vmem>>) target_semaphore(%arg16 : memref<!tpu.dma_semaphore, #tpu.memory_space<semaphore_mem>>)
      %dma_start3A_45 = tpu.memref_slice %arg4[%multiple_of3A_42] : memref<320000xi32, #tpu.memory_space<hbm>> -> memref<8000xi32, #tpu.memory_space<hbm>>
      %dma_start3A_46 = tpu.memref_slice %arg4[%multiple_of3A_42] : memref<320000xi32, #tpu.memory_space<hbm>> -> memref<8000xi32, #tpu.memory_space<hbm>>
      tpu.enqueue_dma source(%dma_start3A_46 : memref<8000xi32, #tpu.memory_space<hbm>>) target(%arg13 : memref<8000xi32, #tpu.memory_space<vmem>>) target_semaphore(%arg16 : memref<!tpu.dma_semaphore, #tpu.memory_space<semaphore_mem>>)
      %dma_start3A_47 = tpu.memref_slice %arg5[%multiple_of3A_42] : memref<320000xf32, #tpu.memory_space<hbm>> -> memref<8000xf32, #tpu.memory_space<hbm>>
      %dma_start3A_48 = tpu.memref_slice %arg5[%multiple_of3A_42] : memref<320000xf32, #tpu.memory_space<hbm>> -> memref<8000xf32, #tpu.memory_space<hbm>>
      tpu.enqueue_dma source(%dma_start3A_48 : memref<8000xf32, #tpu.memory_space<hbm>>) target(%arg14 : memref<8000xf32, #tpu.memory_space<vmem>>) target_semaphore(%arg16 : memref<!tpu.dma_semaphore, #tpu.memory_space<semaphore_mem>>)
      %parallel_loop3A_49 = arith.constant 0 : i32
      %parallel_loop3A_50 = arith.constant 500 : i32
      %parallel_loop3A_51 = arith.constant 1 : i32
      scf.for %parallel_loop3A_72 = %parallel_loop3A_49 to %parallel_loop3A_50 step %parallel_loop3A_51  : i32 {
        %parallel_loop3A_73 = arith.constant 16 : i32
        %parallel_loop3A_74 = arith.muli %parallel_loop3A_72, %parallel_loop3A_73 : i32
        %parallel_loop3A_75 = arith.index_cast %parallel_loop3A_74 : i32 to index
        %parallel_loop3A_76 = tpu.vector_load %arg9[%parallel_loop3A_75] {strides = array<i32>} : memref<8000xi32, #tpu.memory_space<vmem>>, vector<16xi32>,
        %parallel_loop3A_77 = arith.index_cast %parallel_loop3A_74 : i32 to index
        %parallel_loop3A_78 = tpu.vector_load %arg10[%parallel_loop3A_77] {strides = array<i32>} : memref<8000xi32, #tpu.memory_space<vmem>>, vector<16xi32>,
        %parallel_loop3A_79 = arith.index_cast %parallel_loop3A_74 : i32 to index
        %parallel_loop3A_80 = tpu.vector_load %arg11[%parallel_loop3A_79] {strides = array<i32>} : memref<8000xf32, #tpu.memory_space<vmem>>, vector<16xf32>,
        %parallel_loop3A_81 = arith.constant 0 : i32
        %parallel_loop3A_82 = vector.broadcast %parallel_loop3A_81 : i32 to vector<16xi32>
        %parallel_loop3A_83 = arith.addi %parallel_loop3A_76, %parallel_loop3A_82 : vector<16xi32>
        %parallel_loop3A_84 = tpu.vector_load_idx %arg7[%parallel_loop3A_83] : memref<40000xf32, #tpu.memory_space<vmem>>[vector<16xi32>], vector<16xf32>,
        %parallel_loop3A_85 = arith.mulf %parallel_loop3A_84, %parallel_loop3A_80 : vector<16xf32>
        %parallel_loop3A_86 = arith.constant 0 : i32
        %parallel_loop3A_87 = vector.broadcast %parallel_loop3A_86 : i32 to vector<16xi32>
        %parallel_loop3A_88 = arith.addi %parallel_loop3A_78, %parallel_loop3A_87 : vector<16xi32>
        tpu.vector_store_idx %arg8[%parallel_loop3A_88], %parallel_loop3A_85 {add = true} : memref<40000xf32, #tpu.memory_space<vmem>>[vector<16xi32>], vector<16xf32>,
        %parallel_loop3A_89 = arith.constant 10000 : i32
        %parallel_loop3A_90 = vector.broadcast %parallel_loop3A_89 : i32 to vector<16xi32>
        %parallel_loop3A_91 = arith.addi %parallel_loop3A_76, %parallel_loop3A_90 : vector<16xi32>
        %parallel_loop3A_92 = tpu.vector_load_idx %arg7[%parallel_loop3A_91] : memref<40000xf32, #tpu.memory_space<vmem>>[vector<16xi32>], vector<16xf32>,
        %parallel_loop3A_93 = arith.mulf %parallel_loop3A_92, %parallel_loop3A_80 : vector<16xf32>
        %parallel_loop3A_94 = arith.constant 10000 : i32
        %parallel_loop3A_95 = vector.broadcast %parallel_loop3A_94 : i32 to vector<16xi32>
        %parallel_loop3A_96 = arith.addi %parallel_loop3A_78, %parallel_loop3A_95 : vector<16xi32>
        tpu.vector_store_idx %arg8[%parallel_loop3A_96], %parallel_loop3A_93 {add = true} : memref<40000xf32, #tpu.memory_space<vmem>>[vector<16xi32>], vector<16xf32>,
        %parallel_loop3A_97 = arith.constant 20000 : i32
        %parallel_loop3A_98 = vector.broadcast %parallel_loop3A_97 : i32 to vector<16xi32>
        %parallel_loop3A_99 = arith.addi %parallel_loop3A_76, %parallel_loop3A_98 : vector<16xi32>
        %parallel_loop3A_100 = tpu.vector_load_idx %arg7[%parallel_loop3A_99] : memref<40000xf32, #tpu.memory_space<vmem>>[vector<16xi32>], vector<16xf32>,
        %parallel_loop3A_101 = arith.mulf %parallel_loop3A_100, %parallel_loop3A_80 : vector<16xf32>
        %parallel_loop3A_102 = arith.constant 20000 : i32
        %parallel_loop3A_103 = vector.broadcast %parallel_loop3A_102 : i32 to vector<16xi32>
        %parallel_loop3A_104 = arith.addi %parallel_loop3A_78, %parallel_loop3A_103 : vector<16xi32>
        tpu.vector_store_idx %arg8[%parallel_loop3A_104], %parallel_loop3A_101 {add = true} : memref<40000xf32, #tpu.memory_space<vmem>>[vector<16xi32>], vector<16xf32>,
        %parallel_loop3A_105 = arith.constant 30000 : i32
        %parallel_loop3A_106 = vector.broadcast %parallel_loop3A_105 : i32 to vector<16xi32>
        %parallel_loop3A_107 = arith.addi %parallel_loop3A_76, %parallel_loop3A_106 : vector<16xi32>
        %parallel_loop3A_108 = tpu.vector_load_idx %arg7[%parallel_loop3A_107] : memref<40000xf32, #tpu.memory_space<vmem>>[vector<16xi32>], vector<16xf32>,
        %parallel_loop3A_109 = arith.mulf %parallel_loop3A_108, %parallel_loop3A_80 : vector<16xf32>
        %parallel_loop3A_110 = arith.constant 30000 : i32
        %parallel_loop3A_111 = vector.broadcast %parallel_loop3A_110 : i32 to vector<16xi32>
        %parallel_loop3A_112 = arith.addi %parallel_loop3A_78, %parallel_loop3A_111 : vector<16xi32>
        tpu.vector_store_idx %arg8[%parallel_loop3A_112], %parallel_loop3A_109 {add = true} : memref<40000xf32, #tpu.memory_space<vmem>>[vector<16xi32>], vector<16xf32>,
      } {sc.loop_unroll_factor = 1 : i64, sc.parallel_access}
      %dma_wait3A_52 = arith.constant 0 : i32
      %dma_wait3A_53 = tpu.memref_slice %arg3[%dma_wait3A_52] : memref<320000xi32, #tpu.memory_space<hbm>> -> memref<8000xi32, #tpu.memory_space<hbm>>
      %dma_wait3A_54 = arith.constant 0 : i32
      %dma_wait3A_55 = tpu.memref_slice %arg3[%dma_wait3A_54] : memref<320000xi32, #tpu.memory_space<hbm>> -> memref<8000xi32, #tpu.memory_space<hbm>>
      tpu.wait_dma2 semaphore(%arg16 : memref<!tpu.dma_semaphore, #tpu.memory_space<semaphore_mem>>) src(%dma_wait3A_55 : memref<8000xi32, #tpu.memory_space<hbm>>) dst(%arg12 : memref<8000xi32, #tpu.memory_space<vmem>>)
      %dma_wait3A_56 = arith.constant 0 : i32
      %dma_wait3A_57 = tpu.memref_slice %arg4[%dma_wait3A_56] : memref<320000xi32, #tpu.memory_space<hbm>> -> memref<8000xi32, #tpu.memory_space<hbm>>
      %dma_wait3A_58 = arith.constant 0 : i32
      %dma_wait3A_59 = tpu.memref_slice %arg4[%dma_wait3A_58] : memref<320000xi32, #tpu.memory_space<hbm>> -> memref<8000xi32, #tpu.memory_space<hbm>>
      tpu.wait_dma2 semaphore(%arg16 : memref<!tpu.dma_semaphore, #tpu.memory_space<semaphore_mem>>) src(%dma_wait3A_59 : memref<8000xi32, #tpu.memory_space<hbm>>) dst(%arg13 : memref<8000xi32, #tpu.memory_space<vmem>>)
      %dma_wait3A_60 = arith.constant 0 : i32
      %dma_wait3A_61 = tpu.memref_slice %arg5[%dma_wait3A_60] : memref<320000xf32, #tpu.memory_space<hbm>> -> memref<8000xf32, #tpu.memory_space<hbm>>
      %dma_wait3A_62 = arith.constant 0 : i32
      %dma_wait3A_63 = tpu.memref_slice %arg5[%dma_wait3A_62] : memref<320000xf32, #tpu.memory_space<hbm>> -> memref<8000xf32, #tpu.memory_space<hbm>>
      tpu.wait_dma2 semaphore(%arg16 : memref<!tpu.dma_semaphore, #tpu.memory_space<semaphore_mem>>) src(%dma_wait3A_63 : memref<8000xf32, #tpu.memory_space<hbm>>) dst(%arg14 : memref<8000xf32, #tpu.memory_space<vmem>>)
      %add3A_64 = arith.constant 2 : i32
      %add3A_65 = arith.addi %mul3A_25, %add3A_64 : i32
      %lt3A = arith.constant 40 : i32
      %lt3A_66 = arith.cmpi slt, %add3A_65, %lt3A : i32
      %convert_element_type3A = arith.extui %lt3A_66 : i1 to i32
      %cond3A = arith.constant 0 : i32
      %cond3A_67 = arith.cmpi ne, %convert_element_type3A, %cond3A : i32
      scf.if %cond3A_67 {
        %add3A_72 = arith.constant 2 : i32
        %add3A_73 = arith.addi %mul3A_25, %add3A_72 : i32
        %mul3A_74 = arith.constant 8000 : i32
        %mul3A_75 = arith.muli %add3A_73, %mul3A_74 : i32
        %multiple_of3A_76 = tpu.assume_multiple %mul3A_75, 8 : i32
        %dma_start3A_77 = tpu.memref_slice %arg3[%multiple_of3A_76] : memref<320000xi32, #tpu.memory_space<hbm>> -> memref<8000xi32, #tpu.memory_space<hbm>>
        %dma_start3A_78 = tpu.memref_slice %arg3[%multiple_of3A_76] : memref<320000xi32, #tpu.memory_space<hbm>> -> memref<8000xi32, #tpu.memory_space<hbm>>
        tpu.enqueue_dma source(%dma_start3A_78 : memref<8000xi32, #tpu.memory_space<hbm>>) target(%arg9 : memref<8000xi32, #tpu.memory_space<vmem>>) target_semaphore(%arg15 : memref<!tpu.dma_semaphore, #tpu.memory_space<semaphore_mem>>)
        %dma_start3A_79 = tpu.memref_slice %arg4[%multiple_of3A_76] : memref<320000xi32, #tpu.memory_space<hbm>> -> memref<8000xi32, #tpu.memory_space<hbm>>
        %dma_start3A_80 = tpu.memref_slice %arg4[%multiple_of3A_76] : memref<320000xi32, #tpu.memory_space<hbm>> -> memref<8000xi32, #tpu.memory_space<hbm>>
        tpu.enqueue_dma source(%dma_start3A_80 : memref<8000xi32, #tpu.memory_space<hbm>>) target(%arg10 : memref<8000xi32, #tpu.memory_space<vmem>>) target_semaphore(%arg15 : memref<!tpu.dma_semaphore, #tpu.memory_space<semaphore_mem>>)
        %dma_start3A_81 = tpu.memref_slice %arg5[%multiple_of3A_76] : memref<320000xf32, #tpu.memory_space<hbm>> -> memref<8000xf32, #tpu.memory_space<hbm>>
        %dma_start3A_82 = tpu.memref_slice %arg5[%multiple_of3A_76] : memref<320000xf32, #tpu.memory_space<hbm>> -> memref<8000xf32, #tpu.memory_space<hbm>>
        tpu.enqueue_dma source(%dma_start3A_82 : memref<8000xf32, #tpu.memory_space<hbm>>) target(%arg11 : memref<8000xf32, #tpu.memory_space<vmem>>) target_semaphore(%arg15 : memref<!tpu.dma_semaphore, #tpu.memory_space<semaphore_mem>>)
      } else {
      }
      %parallel_loop3A_68 = arith.constant 0 : i32
      %parallel_loop3A_69 = arith.constant 500 : i32
      %parallel_loop3A_70 = arith.constant 1 : i32
      scf.for %parallel_loop3A_72 = %parallel_loop3A_68 to %parallel_loop3A_69 step %parallel_loop3A_70  : i32 {
        %parallel_loop3A_73 = arith.constant 16 : i32
        %parallel_loop3A_74 = arith.muli %parallel_loop3A_72, %parallel_loop3A_73 : i32
        %parallel_loop3A_75 = arith.index_cast %parallel_loop3A_74 : i32 to index
        %parallel_loop3A_76 = tpu.vector_load %arg12[%parallel_loop3A_75] {strides = array<i32>} : memref<8000xi32, #tpu.memory_space<vmem>>, vector<16xi32>,
        %parallel_loop3A_77 = arith.index_cast %parallel_loop3A_74 : i32 to index
        %parallel_loop3A_78 = tpu.vector_load %arg13[%parallel_loop3A_77] {strides = array<i32>} : memref<8000xi32, #tpu.memory_space<vmem>>, vector<16xi32>,
        %parallel_loop3A_79 = arith.index_cast %parallel_loop3A_74 : i32 to index
        %parallel_loop3A_80 = tpu.vector_load %arg14[%parallel_loop3A_79] {strides = array<i32>} : memref<8000xf32, #tpu.memory_space<vmem>>, vector<16xf32>,
        %parallel_loop3A_81 = arith.constant 0 : i32
        %parallel_loop3A_82 = vector.broadcast %parallel_loop3A_81 : i32 to vector<16xi32>
        %parallel_loop3A_83 = arith.addi %parallel_loop3A_76, %parallel_loop3A_82 : vector<16xi32>
        %parallel_loop3A_84 = tpu.vector_load_idx %arg7[%parallel_loop3A_83] : memref<40000xf32, #tpu.memory_space<vmem>>[vector<16xi32>], vector<16xf32>,
        %parallel_loop3A_85 = arith.mulf %parallel_loop3A_84, %parallel_loop3A_80 : vector<16xf32>
        %parallel_loop3A_86 = arith.constant 0 : i32
        %parallel_loop3A_87 = vector.broadcast %parallel_loop3A_86 : i32 to vector<16xi32>
        %parallel_loop3A_88 = arith.addi %parallel_loop3A_78, %parallel_loop3A_87 : vector<16xi32>
        tpu.vector_store_idx %arg8[%parallel_loop3A_88], %parallel_loop3A_85 {add = true} : memref<40000xf32, #tpu.memory_space<vmem>>[vector<16xi32>], vector<16xf32>,
        %parallel_loop3A_89 = arith.constant 10000 : i32
        %parallel_loop3A_90 = vector.broadcast %parallel_loop3A_89 : i32 to vector<16xi32>
        %parallel_loop3A_91 = arith.addi %parallel_loop3A_76, %parallel_loop3A_90 : vector<16xi32>
        %parallel_loop3A_92 = tpu.vector_load_idx %arg7[%parallel_loop3A_91] : memref<40000xf32, #tpu.memory_space<vmem>>[vector<16xi32>], vector<16xf32>,
        %parallel_loop3A_93 = arith.mulf %parallel_loop3A_92, %parallel_loop3A_80 : vector<16xf32>
        %parallel_loop3A_94 = arith.constant 10000 : i32
        %parallel_loop3A_95 = vector.broadcast %parallel_loop3A_94 : i32 to vector<16xi32>
        %parallel_loop3A_96 = arith.addi %parallel_loop3A_78, %parallel_loop3A_95 : vector<16xi32>
        tpu.vector_store_idx %arg8[%parallel_loop3A_96], %parallel_loop3A_93 {add = true} : memref<40000xf32, #tpu.memory_space<vmem>>[vector<16xi32>], vector<16xf32>,
        %parallel_loop3A_97 = arith.constant 20000 : i32
        %parallel_loop3A_98 = vector.broadcast %parallel_loop3A_97 : i32 to vector<16xi32>
        %parallel_loop3A_99 = arith.addi %parallel_loop3A_76, %parallel_loop3A_98 : vector<16xi32>
        %parallel_loop3A_100 = tpu.vector_load_idx %arg7[%parallel_loop3A_99] : memref<40000xf32, #tpu.memory_space<vmem>>[vector<16xi32>], vector<16xf32>,
        %parallel_loop3A_101 = arith.mulf %parallel_loop3A_100, %parallel_loop3A_80 : vector<16xf32>
        %parallel_loop3A_102 = arith.constant 20000 : i32
        %parallel_loop3A_103 = vector.broadcast %parallel_loop3A_102 : i32 to vector<16xi32>
        %parallel_loop3A_104 = arith.addi %parallel_loop3A_78, %parallel_loop3A_103 : vector<16xi32>
        tpu.vector_store_idx %arg8[%parallel_loop3A_104], %parallel_loop3A_101 {add = true} : memref<40000xf32, #tpu.memory_space<vmem>>[vector<16xi32>], vector<16xf32>,
        %parallel_loop3A_105 = arith.constant 30000 : i32
        %parallel_loop3A_106 = vector.broadcast %parallel_loop3A_105 : i32 to vector<16xi32>
        %parallel_loop3A_107 = arith.addi %parallel_loop3A_76, %parallel_loop3A_106 : vector<16xi32>
        %parallel_loop3A_108 = tpu.vector_load_idx %arg7[%parallel_loop3A_107] : memref<40000xf32, #tpu.memory_space<vmem>>[vector<16xi32>], vector<16xf32>,
        %parallel_loop3A_109 = arith.mulf %parallel_loop3A_108, %parallel_loop3A_80 : vector<16xf32>
        %parallel_loop3A_110 = arith.constant 30000 : i32
        %parallel_loop3A_111 = vector.broadcast %parallel_loop3A_110 : i32 to vector<16xi32>
        %parallel_loop3A_112 = arith.addi %parallel_loop3A_78, %parallel_loop3A_111 : vector<16xi32>
        tpu.vector_store_idx %arg8[%parallel_loop3A_112], %parallel_loop3A_109 {add = true} : memref<40000xf32, #tpu.memory_space<vmem>>[vector<16xi32>], vector<16xf32>,
      } {sc.loop_unroll_factor = 1 : i64, sc.parallel_access}
      %scan3A_71 = arith.constant 0 : i32
      scf.yield %scan3A_71 : i32
    }
    %scan3A_21 = arith.constant 20 : i32
    "tpu.region"() ({
      %run_scoped3A = tpu.sem_alloc : memref<!tpu.dma_semaphore, #tpu.memory_space<semaphore_mem>>
      %dma_start3A_22 = tpu.memref_slice %arg6[%mul3A_4] : memref<1280000xf32, #tpu.memory_space<hbm>> -> memref<40000xf32, #tpu.memory_space<hbm>>
      %dma_start3A_23 = tpu.memref_slice %arg6[%mul3A_4] : memref<1280000xf32, #tpu.memory_space<hbm>> -> memref<40000xf32, #tpu.memory_space<hbm>>
      tpu.enqueue_dma source(%arg8 : memref<40000xf32, #tpu.memory_space<vmem>>) target(%dma_start3A_23 : memref<40000xf32, #tpu.memory_space<hbm>>) target_semaphore(%run_scoped3A : memref<!tpu.dma_semaphore, #tpu.memory_space<semaphore_mem>>)
      %dma_wait3A_24 = tpu.memref_slice %arg6[%mul3A_4] : memref<1280000xf32, #tpu.memory_space<hbm>> -> memref<40000xf32, #tpu.memory_space<hbm>>
      %dma_wait3A_25 = tpu.memref_slice %arg6[%mul3A_4] : memref<1280000xf32, #tpu.memory_space<hbm>> -> memref<40000xf32, #tpu.memory_space<hbm>>
      tpu.wait_dma2 semaphore(%run_scoped3A : memref<!tpu.dma_semaphore, #tpu.memory_space<semaphore_mem>>) src(%arg8 : memref<40000xf32, #tpu.memory_space<vmem>>) dst(%dma_wait3A_25 : memref<40000xf32, #tpu.memory_space<hbm>>)
      tpu.yield
    }) : () -> ()
    return
  }
}

module attributes {stable_mosaic.version = 14 : i64} {
  func.func @_mm_body(%arg0: memref<128x128xf32, #tpu.memory_space<vmem>>, %arg1: memref<10000x128xf32, #tpu.memory_space<vmem>>, %arg2: memref<128x10000xf32, #tpu.memory_space<vmem>>) attributes {dimension_semantics = [], scalar_prefetch = 0 : i64, scratch_operands = 0 : i64, tpu.core_type = #tpu.core_type<tc>} {
    %get3A = arith.constant 0 : index
    %get3A_0 = arith.constant 0 : index
    %get3A_1 = vector.load %arg0[%get3A, %get3A_0] : memref<128x128xf32, #tpu.memory_space<vmem>>, vector<128x128xf32>
    %get3A_2 = arith.constant 0 : index
    %get3A_3 = arith.constant 0 : index
    %get3A_4 = vector.load %arg1[%get3A_2, %get3A_3] : memref<10000x128xf32, #tpu.memory_space<vmem>>, vector<10000x128xf32>
    %dot_general3A = arith.constant dense<0.000000e+00> : vector<128x10000xf32>
    %dot_general3A_5 = tpu.matmul %get3A_1, %get3A_4, %dot_general3A {dimension_numbers = #tpu.dot_dimension_numbers<[1], [1], [0], [0], [0, 0, 1, 0], [], []>, transpose_lhs_hint = false} : vector<128x128xf32>, vector<10000x128xf32>, vector<128x10000xf32> -> vector<128x10000xf32>
    %swap3A = arith.constant 0 : index
    %swap3A_6 = arith.constant 0 : index
    %swap3A_7 = vector.load %arg2[%swap3A, %swap3A_6] : memref<128x10000xf32, #tpu.memory_space<vmem>>, vector<128x10000xf32>
    tpu.vector_store %arg2[%swap3A, %swap3A_6], %dot_general3A_5 {strides = array<i32>} : memref<128x10000xf32, #tpu.memory_space<vmem>>, vector<128x10000xf32>,
    return
  }
}

module attributes {stable_mosaic.version = 14 : i64} {
  func.func @_tr_body(%arg0: memref<128x10000xf32, #tpu.memory_space<vmem>>, %arg1: memref<10000x128xf32, #tpu.memory_space<vmem>>) attributes {dimension_semantics = [], scalar_prefetch = 0 : i64, scratch_operands = 0 : i64, tpu.core_type = #tpu.core_type<tc>} {
    %get3A = arith.constant 0 : index
    %get3A_0 = arith.constant 0 : index
    %get3A_1 = vector.load %arg0[%get3A, %get3A_0] : memref<128x10000xf32, #tpu.memory_space<vmem>>, vector<128x10000xf32>
    %transpose3A = tpu.transpose %get3A_1, [1, 0] : vector<128x10000xf32> -> vector<10000x128xf32>
    %swap3A = arith.constant 0 : index
    %swap3A_2 = arith.constant 0 : index
    %swap3A_3 = vector.load %arg1[%swap3A, %swap3A_2] : memref<10000x128xf32, #tpu.memory_space<vmem>>, vector<10000x128xf32>
    tpu.vector_store %arg1[%swap3A, %swap3A_2], %transpose3A {strides = array<i32>} : memref<10000x128xf32, #tpu.memory_space<vmem>>, vector<10000x128xf32>,
    return
  }
}

</mosaic_0001>

<sc_bundles>
// kernel: kernel.5.cloned.1.call-start
scs
__scs_entry_jumppad:
0x0: {  	(pc) =	sbr.rel $0x88, $3  }
0x1: {  	(tag) =	ssettag $0x0;
	lr =	simm.s32 $0x1  }
0x2: {  	[smem:$0x3F9C] =	sst lr;
	_ =	strace $0xD0000000  }
0x3: {  	_ = 	snop  }
0x4: {  	_ = 	snop  }
0x5: {  	_ = 	snop  }
0x6: {  	_ = 	snop  }
0x7: {  	_ = 	snop  }
__scs_overlays_trampoline_lowered:
0x8: {  	[smem:$0x3FAB] =	sst s0  }
0x9: {  	[smem:$0x3FAC] =	sst s1  }
0xa: {  	[smem:$0x3FAD] =	sst s2  }
0xb: {  	[smem:$0x3FAE] =	sst s3  }
0xc: {  	[smem:$0x3FAF] =	sst s4  }
0xd: {  	[smem:$0x3FB0] =	sst s5  }
0xe: {  	[smem:$0x3FB1] =	sst s6  }
0xf: {  	[smem:$0x3FB2] =	sst s7  }
0x10: {  	[smem:$0x3FB3] =	sst s8  }
0x11: {  	[smem:$0x3FB4] =	sst s9;
	s0 =	simm.s32 @!p0 $0x0  }
0x12: {  	s1 =	sld [smem:$0x3F9A];
	s0 =	simm.s32 @p0 $0x1  }
0x13: {  	[smem:$0x3FB5] =	sst s0;
	s0 =	simm.s32 @!p1 $0x0  }
0x14: {  	s2 =	sld [smem:$0x3F99];
	s0 =	simm.s32 @p1 $0x1  }
0x15: {  	[smem:$0x3FB6] =	sst s0;
	s0 =	simm.s32 @!p2 $0x0  }
0x16: {  	s3 =	sld [smem:$0x3FDB];
	s0 =	simm.s32 @p2 $0x1  }
0x17: {  	s4 =	simm.s32 $0x1BF5;
	[smem:$0x3FB8] =	sst s0  }
0x18: {  	s0 =	sld [smem:$0x3F9B];
	_ =	swait.ge [sflag:s4], $0x0  }
0x19: {  	s7 =	sld [smem:$0x3F9C]  }
0x1a: {  	s8 =	sadd.s32 $0xFFFFE003, lr  }
0x1b: {  	s9 =	sadd.s32 $0xFFFFFEF7, lr;
	s5 =	simm.s32 $0xFFFFFFFF;
	p2 =	slt.u32 s8, $0xFFFFF086  }
0x1c: {  	p1 =	slt.u32 s9, $0xF7A;
	s5 =	simm.s32 @!p2 $0x0  }
0x1d: {  	s5 =	simm.s32 @p1 $0x1;
	p0 =	seq.s32 s7, s2  }
0x1e: {  	s7 =	smul.u32 @!p0 $0xF7A, s2;
	p2 =	seq.s32 @!p0 s5, $0x0  }
0x1f: {  	s9 =	smul.u32 $0xF7A, s1;
	s8 =	simm.s32 @!p0 $0x1BF5;
	p2 =	por !p2, p0  }
0x20: {  	[sflag:s8] =	ssyncset.s32 @!p0 $0xFFFFF086;
	s6 =	sadd.s32 @!p0 s3, s7;
	s7 =	simm.s32 @!p0 $0x108  }
0x21: {  	s3 =	sadd.s32 s3, s9;
	s6 =	sadd.s32 @!p0 $0x88, s6;
	s7 =	simm.s32 @p2 $0x1082  }
0x22: {  	[simem:s7], [sflag:s8] =	dma.local @!p0 [hbm:s6], $0xF7A  }
0x23: {  	s9 =	sor.u32 $0xD0000000, s2;
	s6 =	simm.s32 $0x108;
	_ =	swait.ge @!p0 [sflag:s8], $0x0  }
0x24: {  	s3 =	sadd.s32 $0x88, s3;
	s6 =	simm.s32 @!p1 $0x1082;
	[sflag:s4] =	ssyncset.s32 $0xFFFFF086  }
0x25: {  	[simem:s6], [sflag:s4] =	dma.local [hbm:s3], $0xF7A  }
0x26: {  	[smem:$0x3F9C] =	sst s1;
	(tag) =	ssettag s2;
	_ =	strace s9  }
0x27: {  	s1 =	sld [smem:$0x3FAC]  }
0x28: {  	s2 =	sld [smem:$0x3FAD]  }
0x29: {  	s4 =	sld [smem:$0x3FAF]  }
0x2a: {  	p0 =	seq.s32 s5, $0x0;
	s5 =	sld [smem:$0x3FB0]  }
0x2b: {  	s6 =	sld [smem:$0x3FB1]  }
0x2c: {  	s7 =	sld [smem:$0x3FB2]  }
0x2d: {  	s3 =	simm.s32 $0x108;
	s8 =	sld [smem:$0x3FB3]  }
0x2e: {  	s3 =	simm.s32 @!p0 $0x1082;
	s9 =	sld [smem:$0x3FB4]  }
0x2f: {  	lr =	sadd.s32 s0, s3;
	s0 =	sld [smem:$0x3FAB]  }
0x30: {  	s3 =	sld [smem:$0x3FAE]  }
0x31: {  	[smem:$0x3FB7] =	sst s10  }
0x32: {  	s10 =	sld [smem:$0x3FB5];
	_ =	sdelay $0x3  }
0x33: {  	p0 =	seq.s32 s10, $0x1;
	s10 =	sld [smem:$0x3FB7];
	_ =	sdelay $0x3  }
0x34: {  	[smem:$0x3FB7] =	sst s10  }
0x35: {  	s10 =	sld [smem:$0x3FB6];
	_ =	sdelay $0x3  }
0x36: {  	p1 =	seq.s32 s10, $0x1;
	s10 =	sld [smem:$0x3FB7];
	_ =	sdelay $0x3  }
0x37: {  	[smem:$0x3FB7] =	sst s10  }
0x38: {  	s10 =	sld [smem:$0x3FB8]  }
0x39: {  	_ = 	snop;
	(pc) =	sbr.ind lr, $3  }
0x3a: {  	_ = 	snop  }
0x3b: {  	_ = 	snop  }
0x3c: {  	p2 =	seq.s32 s10, $0x1;
	s10 =	sld [smem:$0x3FB7]  }
0x3d: {  	_ =	shalt  }
0x3e: {  	_ =	shalt  }
0x3f: {  	_ =	shalt  }
0x40: {  	_ =	shalt  }
0x41: {  	_ =	shalt  }
0x42: {  	_ =	shalt  }
0x43: {  	_ =	shalt  }
0x44: {  	_ =	shalt  }
0x45: {  	_ =	shalt  }
0x46: {  	_ =	shalt  }
0x47: {  	_ =	shalt  }
0x48: {  	_ =	shalt  }
0x49: {  	_ =	shalt  }
0x4a: {  	_ =	shalt  }
0x4b: {  	_ =	shalt  }
0x4c: {  	_ =	shalt  }
0x4d: {  	_ =	shalt  }
0x4e: {  	_ =	shalt  }
0x4f: {  	_ =	shalt  }
0x50: {  	_ =	shalt  }
0x51: {  	_ =	shalt  }
0x52: {  	_ =	shalt  }
0x53: {  	_ =	shalt  }
0x54: {  	_ =	shalt  }
0x55: {  	_ =	shalt  }
0x56: {  	_ =	shalt  }
0x57: {  	_ =	shalt  }
0x58: {  	_ =	shalt  }
0x59: {  	_ =	shalt  }
0x5a: {  	_ =	shalt  }
0x5b: {  	_ =	shalt  }
0x5c: {  	_ =	shalt  }
0x5d: {  	_ =	shalt  }
0x5e: {  	_ =	shalt  }
0x5f: {  	_ =	shalt  }
0x60: {  	_ =	shalt  }
0x61: {  	_ =	shalt  }
0x62: {  	_ =	shalt  }
0x63: {  	_ =	shalt  }
0x64: {  	_ =	shalt  }
0x65: {  	_ =	shalt  }
0x66: {  	_ =	shalt  }
0x67: {  	_ =	shalt  }
0x68: {  	_ =	shalt  }
0x69: {  	_ =	shalt  }
0x6a: {  	_ =	shalt  }
0x6b: {  	_ =	shalt  }
0x6c: {  	_ =	shalt  }
0x6d: {  	_ =	shalt  }
0x6e: {  	_ =	shalt  }
0x6f: {  	_ =	shalt  }
0x70: {  	_ =	shalt  }
0x71: {  	_ =	shalt  }
0x72: {  	_ =	shalt  }
0x73: {  	_ =	shalt  }
0x74: {  	_ =	shalt  }
0x75: {  	_ =	shalt  }
0x76: {  	_ =	shalt  }
0x77: {  	_ =	shalt  }
0x78: {  	_ =	shalt  }
0x79: {  	_ =	shalt  }
0x7a: {  	_ =	shalt  }
0x7b: {  	_ =	shalt  }
0x7c: {  	_ =	shalt  }
0x7d: {  	_ =	shalt  }
0x7e: {  	_ =	shalt  }
0x7f: {  	_ =	shalt  }
0x80: {  	_ =	shalt  }
0x81: {  	_ =	shalt  }
0x82: {  	_ =	shalt  }
0x83: {  	_ =	shalt  }
0x84: {  	_ =	shalt  }
0x85: {  	_ =	shalt  }
0x86: {  	_ =	shalt  }
0x87: {  	_ =	shalt  }
.Lfunc_end0:
.L_simem_size_0:
called_computation_lowered:
.L_overlay_start_0:
0x88: {  	s2 =	sld [smem:$0x3FD9]  }
0x89: {  	s3 =	sld [smem:$0x3FFE];
	_ =	sdelay $0x1  }
0x8a: {  	s1 =	srdreg.scid  }
0x8b: {  	s0 =	sand.u32 $0x1, s1  }
0x8c: {  	s17 =	sshll.u32 s0, $0xA;
	s2 =	sadd.s32 s3, s2  }
0x8d: {  	s2 =	sadd.s32 s2, s17  }
0x8e: {  	[smem:$0x3FC3] =	sst s2  }
0x8f: {  	_ = 	snop  }
0x90: {  	s2 =	sld [smem:$0x3FC8]  }
0x91: {  	s18 =	sld [smem:$0x3FC7]  }
0x92: {  	s4 =	sld [smem:$0x3FC6]  }
0x93: {  	s5 =	sld [smem:$0x3FD0];
	(tm) =	ssettm $0x1  }
0x94: {  	s6 =	sld [smem:$0x3FFB];
	_ =	sdelay $0x3  }
0x95: {  	_ =	strace s6  }
0x96: {  	s6 =	sld [smem:$0x3FFC];
	_ =	sdelay $0x3  }
0x97: {  	_ =	strace s6  }
0x98: {  	s6 =	sld [smem:$0x3FFD];
	_ =	sdelay $0x3  }
0x99: {  	_ =	strace s6  }
0x9a: {  	_ =	strace $0x8FFFFFFF  }
0x9b: {  	s19 =	sld [smem:$0x3FDB];
	_ =	sdelay $0x1  }
0x9c: {  	s7 =	simm.s32 $_scs_section_size  }
0x9d: {  	s8 =	simm.s32 $_size__tile_overlayer_lowered;
	s9 =	simm.s32 $_tile_overlayer_lowered  }
0x9e: {  	s22 =	simm.s32 $0x1BFF;
	s21 =	sshll.u32 s9, $0x1;
	s6 =	sadd.s32 s7, s19  }
0x9f: {  	s10 =	simm.s32 $0x0;
	s20 =	sshll.u32 s8, $0x1;
	s8 =	sadd.s32 s21, s6  }
0xa0: {  	[timem:s10], [sflag:s22] =	dma.local [hbm:s8], s20  }
0xa1: {  	_ =	swait.ge [sflag:s22], s20  }
0xa2: {  	s7 =	ssub.s32 $0x0, s20;
	[sflag:s22] =	ssyncset.done $0x0  }
0xa3: {  	[sflag:s22] =	ssyncadd.s32 s7;
	_ =	sdelay $0x1  }
0xa4: {  	s23 =	simm.s32 $0x1B8B  }
0xa5: {  	_ =	swait.ge [sflag:s23], $0x1  }
0xa6: {  	[sflag:s23] =	ssyncset.done $0x0  }
0xa7: {  	s25 =	simm.s32 $0x1B8E;
	s24 =	sld [smem:$0x3FFE];
	[sflag:s23] =	ssyncadd.s32 $0xFFFFFFFF  }
0xa8: {  	s26 =	simm.s32 $execute0_lowered;
	[smem:$0x3FD2] =	sst s25  }
0xa9: {  	s8 =	sshll.u32 s26, $0x1;
	_ =	strace $0x80000046;
	[dreg:$0x1] =	wrdreg $0xFFFFFFFF  }
0xaa: {  	s28 =	simm.s32 $_size_execute0_lowered;
	s6 =	sadd.s32 s6, s8;
	[dreg:$0x0] =	wrdreg $0x0  }
0xab: {  	s8 =	sshll.u32 s28, $0x1;
	[dreg:$0x2] =	wrdreg s6  }
0xac: {  	[dreg:$0x3] =	wrdreg s8  }
0xad: {  	[dreg:$0x4] =	wrdreg $0xC0  }
0xae: {  	_ =	task [dreg:s10], $0x5FFFF  }
0xaf: {  	[dreg:$0x1] =	wrdreg $0xFFFFFFFF  }
0xb0: {  	[dreg:$0x0] =	wrdreg $0x60  }
0xb1: {  	[dreg:$0x2] =	wrdreg s5  }
0xb2: {  	[dreg:$0x3] =	wrdreg s2  }
0xb3: {  	[dreg:$0x4] =	wrdreg s18  }
0xb4: {  	[dreg:$0x5] =	wrdreg s4  }
0xb5: {  	[dreg:$0x6] =	wrdreg s24  }
0xb6: {  	[dreg:$0x7] =	wrdreg $0x9  }
0xb7: {  	_ =	task.clear_ibuf [dreg:s10], $0x8FFFF;
	_ =	strace $0x90000046  }
0xb8: {  	s29 =	simm.s32 $0x9;
	_ =	strace $0x80000048  }
0xb9: {  	_ =	swait.ge [sflag:s29], $0x1  }
0xba: {  	[sflag:s29] =	ssyncadd.s32 $0xFFFFFFFF  }
0xbb: {  	_ =	strace $0x90000048  }
0xbc: {  	_ =	sfence  }
0xbd: {  	s30 =	sld [smem:$0x0];
	_ =	sdelay $0x2  }
0xbe: {  	s31 =	sshll.u32 s1, $0xD;
	s1 =	sshrl.u32 s1, $0x2  }
0xbf: {  	s3 =	sand.u32 $0x4000, s31;
	s1 =	sadd.s32 s1, s30  }
0xc0: {  	s0 =	sor.u32 s3, s0;
	s1 =	sshll.u32 s1, $0x11  }
0xc1: {  	s0 =	sor.u32 s1, s0  }
0xc2: {  	s0 =	sadd.s32 $0x8F2B, s0  }
0xc3: {  	[sflag:s0] =	ssyncadd.remote.s32 $0x1  }
0xc4: {  	_ =	sfence.sel $0xFFFF  }
0xc5: {  	[dreg:$0x0] =	wrdreg $0xFFFFFFFF;
	(pc) =	sbr.abs _section_cstart, $3  }
0xc6: {  	[dreg:$0x1] =	wrdreg $0xFFFFFFFF  }
0xc7: {  	_ =	task.clear_ibuf [dreg:s10], $0x2FFFF;
	_ =	strace $0x9FFFFFFF  }
0xc8: {  	(tm) =	ssettm $0x7FFFFFFF  }
0xc9: {  	_ =	shalt  }
tec
execute0_lowered:
.L_overlay_start_1:
0x0: {  	(tag) =	ssettag $0x1  }
0x1: {  	s6 =	rddreg [dreg:$0x0]  }
0x2: {  	s1 =	rddreg [dreg:$0x1]  }
0x3: {  	s2 =	rddreg [dreg:$0x2];
	s3 =	srdreg.scid  }
0x4: {  	s0 =	stileid.u32;
	s4 =	rddreg [dreg:$0x3]  }
0x5: {  	s8 =	rddreg [dreg:$0x4];
	s5 =	simm.s32 $0x0;
	s11 =	simm.s32 $0x17800  }
0x6: {  	s12 =	simm.s32 $0x2;
	s13 =	simm.s32 $0x1;
	s14 =	simm.s32 $0x19780  }
0x7: {  	s15 =	simm.s32 $0x1B700;
	s16 =	simm.s32 $0x1D680;
	s17 =	simm.s32 $0x9C80  }
0x8: {  	s18 =	simm.s32 $0x3;
	s7 =	sand.u32 $0x1, s3;
	s31 =	sshll.u32 s0, $0x1  }
0x9: {  	s19 =	simm.s32 $0x0;
	s9 =	sor.u32 s7, s31;
	s7 =	ssub.s32 $0x2, s7  }
0xa: {  	[smem:$0x7FF] =	sst s5;
	s9 =	smul.u32 $0x1388, s9;
	s10 =	sshrl.u32 s7, $0x1  }
0xb: {  	s3 =	rddreg [dreg:$0x5];
	_ =	strace $0x80000047;
	s10 =	ssub.s32 s7, s10  }
0xc: {  	s8 =	sadd.s32 s9, s8;
	s6 =	sadd.s32 s6, s9;
	s9 =	simm.s32 $0x13900  }
0xd: {  	v0 =	vimm.f32 $0.0e+00;
	s7 =	sadd.s32 $0x800, s8;
	s8 =	smax.u32 s10, $0x1;
	s10 =	simm.s32 $0x15880  }
.LBB2_1:
0xe: {  	[tilespmem:s5], [sflag:$0x2] =	stream.linear.gather [hbm4b:s6+s5], $0x9C40, $0x38;
	[tilespmem:$0x1F600] =	vst v63  }
0xf: {  	_ = 	snop  }
0x10: {  	[tilespmem:s9], [sflag:$0x1] =	stream.linear.gather [hbm4b:s1+s5], $0x1F40, $0x38;
	[tilespmem:$0x1F600] =	vst v63  }
0x11: {  	_ = 	snop  }
0x12: {  	[tilespmem:s10], [sflag:$0x1] =	stream.linear.gather [hbm4b:s2+s5], $0x1F40, $0x38;
	[tilespmem:$0x1F600] =	vst v63  }
0x13: {  	s20 =	simm.s32 $0x9CC0  }
0x14: {  	[tilespmem:s11], [sflag:$0x1] =	stream.linear.gather [hbm4b:s4+s5], $0x1F40, $0x38;
	[tilespmem:$0x1F600] =	vst v63  }
0x15: {  	[tilespmem:s20+$0xFFFFFFC0] =	vst v0  }
0x16: {  	[tilespmem:s20+$0x30] =	vst v0  }
0x17: {  	[tilespmem:s20+$0x20] =	vst v0  }
0x18: {  	[tilespmem:s20+$0x10] =	vst v0  }
0x19: {  	[tilespmem:s20+$0x0] =	vst v0  }
0x1a: {  	[tilespmem:s20+$0xFFFFFFF0] =	vst v0  }
0x1b: {  	s21 =	simm.s32 $0x0;
	[tilespmem:s20+$0xFFFFFFE0] =	vst v0  }
.LBB2_2:
0x1c: {  	s21 =	sadd.s32 $0x8, s21;
	[tilespmem:s20+$0xFFFFFFD0] =	vst v0;
	s20 =	sadd.s32 $0x80, s20  }
0x1d: {  	[tilespmem:s20+$0xFFFFFFC0] =	vst v0;
	p0 =	slt.u32 s21, $0x9B8  }
0x1e: {  	[tilespmem:s20+$0x30] =	vst v0  }
.Ltmp0:
0x1f: {  	[tilespmem:s20+$0x20] =	vst v0;
	(pc) =	sbr.rel @p0 .LBB2_2-.Ltmp0, $4  }
0x20: {  	[tilespmem:s20+$0x10] =	vst v0  }
0x21: {  	[tilespmem:s20+$0x0] =	vst v0  }
0x22: {  	[tilespmem:s20+$0xFFFFFFF0] =	vst v0  }
0x23: {  	[tilespmem:s20+$0xFFFFFFE0] =	vst v0  }
0x24: {  	[tilespmem:s20+$0xFFFFFFD0] =	vst v0;
	s20 =	simm.s32 $0x0  }
.LBB2_4:
0x25: {  	p0 =	sne.s32 s20, $0xC0  }
.Ltmp1:
0x26: {  	_ = 	snop;
	(pc) =	sbr.rel @p0 .LBB2_4-.Ltmp1, $3  }
0x27: {  	_ =	sdelay $0x1  }
0x28: {  	s21 =	sshra.s32 s20, $0x2  }
0x29: {  	s20 =	sadd.s32 $0x40, s20;
	[tilespmem:s21+$0x13880] =	vst v0  }
0x2a: {  	_ =	swait.ge [sflag:s12], $0x9C40  }
0x2b: {  	[sflag:s12] =	ssyncset.done $0x0  }
0x2c: {  	s20 =	simm.s32 $0x0;
	s21 =	simm.s32 $0x0;
	[sflag:s12] =	ssyncadd.s32 $0xFFFF63C0  }
.LBB2_6:
0x2d: {  	_ =	swait.ge [sflag:s13], $0x1F40  }
0x2e: {  	[sflag:s13] =	ssyncset.done $0x0  }
0x2f: {  	[sflag:s13] =	ssyncadd.s32 $0xFFFFE0C0  }
0x30: {  	_ =	swait.ge [sflag:s13], $0x1F40  }
0x31: {  	s22 =	smul.u32 $0x3E80, s21;
	[sflag:s13] =	ssyncset.done $0x0  }
0x32: {  	[sflag:s13] =	ssyncadd.s32 $0xFFFFE0C0  }
0x33: {  	s23 =	sshrl.u32 s22, $0x3;
	_ =	swait.ge [sflag:s13], $0x1F40  }
0x34: {  	s23 =	sadd.s32 $0x3E8, s23;
	[sflag:s13] =	ssyncset.done $0x0  }
0x35: {  	s24 =	sadd.s32 s1, s23;
	[sflag:s13] =	ssyncadd.s32 $0xFFFFE0C0  }
0x36: {  	[tilespmem:s14], [sflag:$0x2] =	stream.linear.gather [hbm4b:s24+s20], $0x1F40, $0x38;
	[tilespmem:$0x1F600] =	vst v63  }
0x37: {  	s28 =	sadd.s32 s2, s23  }
0x38: {  	[tilespmem:s15], [sflag:$0x2] =	stream.linear.gather [hbm4b:s28+s20], $0x1F40, $0x38;
	[tilespmem:$0x1F600] =	vst v63  }
0x39: {  	s29 =	simm.s32 $0x0;
	s23 =	sadd.s32 s4, s23  }
0x3a: {  	[tilespmem:s16], [sflag:$0x2] =	stream.linear.gather [hbm4b:s23+s20], $0x1F40, $0x38;
	[tilespmem:$0x1F600] =	vst v63  }
0x3b: {  	v5 =	vld [tilespmem:s29+$0x13900];
	_ =	sdelay $0x4  }
0x3c: {  	s30 =	simm.s32 $0x10;
	v2 =	vld [tilespmem:s29+$0x15880]  }
0x3d: {  	v6 =	vld [tilespmem:s30+$0x13900]  }
0x3e: {  	v1 =	vld [tilespmem:s29+$0x17800]  }
0x3f: {  	v3 =	vld.idx.msk [tilespmem:v5+s5+$0x0], $0xffff;
	_ =	sdelay $0x2  }
0x40: {  	v4 =	vadd.s32 $0x2710, v5  }
0x41: {  	s31 =	simm.s32 $0x20  }
0x42: {  	v8 =	vld [tilespmem:s31+$0x13900];
	v3 =	vmul.f32 v3, v1  }
0x43: {  	v9 =	vld.idx.msk [tilespmem:v6+s5+$0x0], $0xffff  }
0x44: {  	[tilespmem:v2+s17+$0x0] =	vst.idx.add.f32.msk $0xffff, v3  }
0x45: {  	v7 =	vld.idx.msk [tilespmem:v4+s5+$0x0], $0xffff  }
0x46: {  	v4 =	vld [tilespmem:s30+$0x15880]  }
0x47: {  	v10 =	vadd.s32 $0x2710, v2;
	v3 =	vld [tilespmem:s30+$0x17800]  }
0x48: {  	v11 =	vadd.s32 $0x4E20, v5;
	_ =	sdelay $0x1  }
0x49: {  	v12 =	vadd.s32 $0x2710, v6;
	v7 =	vmul.f32 v7, v1  }
0x4a: {  	v13 =	vld.idx.msk [tilespmem:v8+s5+$0x0], $0xffff  }
0x4b: {  	v9 =	vmul.f32 v9, v3;
	[tilespmem:v10+s17+$0x0] =	vst.idx.add.f32.msk $0xffff, v7  }
0x4c: {  	v14 =	vld.idx.msk [tilespmem:v11+s5+$0x0], $0xffff  }
0x4d: {  	[tilespmem:v4+s17+$0x0] =	vst.idx.add.f32.msk $0xffff, v9  }
0x4e: {  	v10 =	vadd.s32 $0x4E20, v2;
	v11 =	vld.idx.msk [tilespmem:v12+s5+$0x0], $0xffff  }
0x4f: {  	v7 =	vld [tilespmem:s31+$0x15880];
	v9 =	vadd.s32 $0x7530, v5  }
0x50: {  	v5 =	vld [tilespmem:s31+$0x17800];
	v12 =	vadd.s32 $0x2710, v4  }
0x51: {  	s24 =	simm.s32 $0x100;
	s23 =	simm.s32 $0x30;
	v15 =	vadd.s32 $0x4E20, v6;
	v14 =	vmul.f32 v14, v1  }
.LBB2_7:
0x52: {  	p0 =	sne.s32 s24, $0x7CC0;
	v16 =	vld [tilespmem:s23+$0x13900]  }
0x53: {  	v17 =	vadd.s32 $0x2710, v8;
	v11 =	vmul.f32 v11, v3;
	[tilespmem:v10+s17+$0x0] =	vst.idx.add.f32.msk $0xffff, v14  }
0x54: {  	v14 =	vld.idx.msk [tilespmem:v9+s5+$0x0], $0xffff  }
0x55: {  	v9 =	vmul.f32 v13, v5;
	[tilespmem:v12+s17+$0x0] =	vst.idx.add.f32.msk $0xffff, v11  }
0x56: {  	v18 =	vld.idx.msk [tilespmem:v15+s5+$0x0], $0xffff  }
0x57: {  	v19 =	vadd.s32 $0x7530, v2;
	v2 =	vmov v4;
	v4 =	vmov v7;
	[tilespmem:v7+s17+$0x0] =	vst.idx.add.f32.msk $0xffff, v9  }
.Ltmp2:
0x58: {  	v11 =	vld.idx.msk [tilespmem:v17+s5+$0x0], $0xffff;
	(pc) =	sbr.rel @p0 .LBB2_7-.Ltmp2, $4  }
0x59: {  	v10 =	vadd.s32 $0x4E20, v2;
	v7 =	vld [tilespmem:s23+$0x15880]  }
0x5a: {  	v9 =	vadd.s32 $0x7530, v6;
	v6 =	vmovc v8;
	v8 =	vmovc v16;
	v17 =	vmul.f32 v14, v1;
	v1 =	vmov v3;
	v13 =	vld.idx.msk [tilespmem:v16+s5+$0x0], $0xffff  }
0x5b: {  	v12 =	vadd.s32 $0x2710, v4;
	v3 =	vmov v5;
	v5 =	vld [tilespmem:s23+$0x17800]  }
0x5c: {  	v15 =	vadd.s32 $0x4E20, v6;
	s23 =	sshra.s32 s24, $0x2;
	s24 =	sadd.s32 $0x40, s24;
	v14 =	vmul.f32 v18, v1;
	[tilespmem:v19+s17+$0x0] =	vst.idx.add.f32.msk $0xffff, v17  }
0x5d: {  	v16 =	vld [tilespmem:s23+$0x13900];
	_ =	sdelay $0x5  }
0x5e: {  	v17 =	vld [tilespmem:s23+$0x15880]  }
0x5f: {  	v19 =	vld [tilespmem:s23+$0x17800]  }
0x60: {  	v18 =	vld.idx.msk [tilespmem:v16+s5+$0x0], $0xffff  }
0x61: {  	v20 =	vadd.s32 $0x2710, v8;
	_ =	sdelay $0x1  }
0x62: {  	v13 =	vmul.f32 v13, v5;
	v21 =	vadd.s32 $0x2710, v16;
	_ =	sdelay $0x1  }
0x63: {  	[tilespmem:v7+s17+$0x0] =	vst.idx.add.f32.msk $0xffff, v13;
	v13 =	vmul.f32 v18, v19  }
0x64: {  	v59 =	vld.idx.msk [tilespmem:v20+s5+$0x0], $0xffff  }
0x65: {  	[tilespmem:v17+s17+$0x0] =	vst.idx.add.f32.msk $0xffff, v13  }
0x66: {  	v11 =	vmul.f32 v11, v3;
	v13 =	vadd.s32 $0x2710, v7;
	v60 =	vld.idx.msk [tilespmem:v21+s5+$0x0], $0xffff  }
0x67: {  	v61 =	vadd.s32 $0x4E20, v8  }
0x68: {  	[tilespmem:v12+s17+$0x0] =	vst.idx.add.f32.msk $0xffff, v11;
	v11 =	vadd.s32 $0x2710, v17  }
0x69: {  	v12 =	vld.idx.msk [tilespmem:v15+s5+$0x0], $0xffff;
	v62 =	vadd.s32 $0x4E20, v16;
	v15 =	vmul.f32 v59, v5;
	_ =	sdelay $0x1  }
0x6a: {  	[tilespmem:v13+s17+$0x0] =	vst.idx.add.f32.msk $0xffff, v15;
	v15 =	vmul.f32 v60, v19  }
0x6b: {  	v13 =	vadd.s32 $0x4E20, v4;
	v63 =	vld.idx.msk [tilespmem:v61+s5+$0x0], $0xffff  }
0x6c: {  	v6 =	vadd.s32 $0x7530, v6;
	[tilespmem:v11+s17+$0x0] =	vst.idx.add.f32.msk $0xffff, v15  }
0x6d: {  	v11 =	vmul.f32 v12, v3;
	v12 =	vadd.s32 $0x4E20, v7;
	v15 =	vld.idx.msk [tilespmem:v62+s5+$0x0], $0xffff  }
0x6e: {  	v8 =	vadd.s32 $0x7530, v8;
	[tilespmem:v10+s17+$0x0] =	vst.idx.add.f32.msk $0xffff, v14  }
0x6f: {  	v9 =	vld.idx.msk [tilespmem:v9+s5+$0x0], $0xffff;
	v10 =	vadd.s32 $0x4E20, v17  }
0x70: {  	[tilespmem:v13+s17+$0x0] =	vst.idx.add.f32.msk $0xffff, v11;
	v13 =	vadd.s32 $0x7530, v16;
	v11 =	vmul.f32 v63, v5  }
0x71: {  	v6 =	vld.idx.msk [tilespmem:v6+s5+$0x0], $0xffff  }
0x72: {  	[tilespmem:v12+s17+$0x0] =	vst.idx.add.f32.msk $0xffff, v11;
	v11 =	vmul.f32 v15, v19  }
0x73: {  	v8 =	vld.idx.msk [tilespmem:v8+s5+$0x0], $0xffff  }
0x74: {  	v2 =	vadd.s32 $0x7530, v2;
	[tilespmem:v10+s17+$0x0] =	vst.idx.add.f32.msk $0xffff, v11  }
0x75: {  	v4 =	vadd.s32 $0x7530, v4;
	v10 =	vld.idx.msk [tilespmem:v13+s5+$0x0], $0xffff  }
0x76: {  	v7 =	vadd.s32 $0x7530, v7  }
0x77: {  	v1 =	vmul.f32 v9, v1;
	v9 =	vadd.s32 $0x7530, v17  }
0x78: {  	v3 =	vmul.f32 v6, v3  }
0x79: {  	[tilespmem:v2+s17+$0x0] =	vst.idx.add.f32.msk $0xffff, v1;
	v1 =	vmul.f32 v8, v5  }
0x7a: {  	[tilespmem:v4+s17+$0x0] =	vst.idx.add.f32.msk $0xffff, v3;
	v2 =	vmul.f32 v10, v19  }
0x7b: {  	[tilespmem:v7+s17+$0x0] =	vst.idx.add.f32.msk $0xffff, v1  }
0x7c: {  	[tilespmem:v9+s17+$0x0] =	vst.idx.add.f32.msk $0xffff, v2  }
0x7d: {  	_ =	swait.ge [sflag:s12], $0x1F40  }
0x7e: {  	[sflag:s12] =	ssyncset.done $0x0  }
0x7f: {  	[sflag:s12] =	ssyncadd.s32 $0xFFFFE0C0  }
0x80: {  	_ =	swait.ge [sflag:s12], $0x1F40  }
0x81: {  	[sflag:s12] =	ssyncset.done $0x0  }
0x82: {  	p0 =	seq.s32 s21, $0x13;
	[sflag:s12] =	ssyncadd.s32 $0xFFFFE0C0  }
0x83: {  	s22 =	sshrl.u32 @!p0 s22, $0x3;
	_ =	swait.ge [sflag:s12], $0x1F40  }
0x84: {  	s24 =	simm.s32 @!p0 $0x0;
	s22 =	sadd.s32 @!p0 $0x7D0, s22;
	[sflag:s12] =	ssyncset.done $0x0  }
0x85: {  	s25 =	simm.s32 @!p0 $0x13900;
	s23 =	sadd.s32 @!p0 s1, s22;
	[sflag:s12] =	ssyncadd.s32 $0xFFFFE0C0  }
0x86: {  	[tilespmem:s25], [sflag:$0x1] =	stream.linear.gather @!p0 [hbm4b:s23+s24], $0x1F40, $0x38;
	[tilespmem:$0x1F600] =	vst v63  }
0x87: {  	s23 =	sadd.s32 @!p0 s2, s22;
	s25 =	simm.s32 @!p0 $0x15880  }
0x88: {  	[tilespmem:s25], [sflag:$0x1] =	stream.linear.gather @!p0 [hbm4b:s23+s24], $0x1F40, $0x38;
	[tilespmem:$0x1F600] =	vst v63  }
0x89: {  	s29 =	simm.s32 $0x0;
	s22 =	sadd.s32 @!p0 s4, s22;
	s23 =	simm.s32 @!p0 $0x17800  }
0x8a: {  	[tilespmem:s23], [sflag:$0x1] =	stream.linear.gather @!p0 [hbm4b:s22+s24], $0x1F40, $0x38;
	[tilespmem:$0x1F600] =	vst v63  }
0x8b: {  	v5 =	vld [tilespmem:s29+$0x19780];
	_ =	sdelay $0x4  }
0x8c: {  	s30 =	simm.s32 $0x10;
	v2 =	vld [tilespmem:s29+$0x1B700]  }
0x8d: {  	v6 =	vld [tilespmem:s30+$0x19780]  }
0x8e: {  	v1 =	vld [tilespmem:s29+$0x1D680]  }
0x8f: {  	v3 =	vld.idx.msk [tilespmem:v5+s5+$0x0], $0xffff;
	_ =	sdelay $0x2  }
0x90: {  	v4 =	vadd.s32 $0x2710, v5  }
0x91: {  	s31 =	simm.s32 $0x20  }
0x92: {  	v8 =	vld [tilespmem:s31+$0x19780];
	v3 =	vmul.f32 v3, v1  }
0x93: {  	v9 =	vld.idx.msk [tilespmem:v6+s5+$0x0], $0xffff  }
0x94: {  	[tilespmem:v2+s17+$0x0] =	vst.idx.add.f32.msk $0xffff, v3  }
0x95: {  	v7 =	vld.idx.msk [tilespmem:v4+s5+$0x0], $0xffff  }
0x96: {  	v4 =	vld [tilespmem:s30+$0x1B700]  }
0x97: {  	v10 =	vadd.s32 $0x2710, v2;
	v3 =	vld [tilespmem:s30+$0x1D680]  }
0x98: {  	v11 =	vadd.s32 $0x4E20, v5;
	_ =	sdelay $0x1  }
0x99: {  	v12 =	vadd.s32 $0x2710, v6;
	v7 =	vmul.f32 v7, v1  }
0x9a: {  	v13 =	vld.idx.msk [tilespmem:v8+s5+$0x0], $0xffff  }
0x9b: {  	v9 =	vmul.f32 v9, v3;
	[tilespmem:v10+s17+$0x0] =	vst.idx.add.f32.msk $0xffff, v7  }
0x9c: {  	v14 =	vld.idx.msk [tilespmem:v11+s5+$0x0], $0xffff  }
0x9d: {  	[tilespmem:v4+s17+$0x0] =	vst.idx.add.f32.msk $0xffff, v9  }
0x9e: {  	v10 =	vadd.s32 $0x4E20, v2;
	v11 =	vld.idx.msk [tilespmem:v12+s5+$0x0], $0xffff  }
0x9f: {  	v7 =	vld [tilespmem:s31+$0x1B700];
	v9 =	vadd.s32 $0x7530, v5  }
0xa0: {  	v5 =	vld [tilespmem:s31+$0x1D680];
	v12 =	vadd.s32 $0x2710, v4  }
0xa1: {  	s22 =	simm.s32 $0x30;
	s23 =	simm.s32 $0x100;
	v15 =	vadd.s32 $0x4E20, v6;
	v14 =	vmul.f32 v14, v1  }
.LBB2_9:
0xa2: {  	p0 =	sne.s32 s23, $0x7CC0;
	v16 =	vld [tilespmem:s22+$0x19780]  }
0xa3: {  	v17 =	vadd.s32 $0x2710, v8;
	v11 =	vmul.f32 v11, v3;
	[tilespmem:v10+s17+$0x0] =	vst.idx.add.f32.msk $0xffff, v14  }
0xa4: {  	v14 =	vld.idx.msk [tilespmem:v9+s5+$0x0], $0xffff  }
0xa5: {  	v9 =	vmul.f32 v13, v5;
	[tilespmem:v12+s17+$0x0] =	vst.idx.add.f32.msk $0xffff, v11  }
0xa6: {  	v18 =	vld.idx.msk [tilespmem:v15+s5+$0x0], $0xffff  }
0xa7: {  	v19 =	vadd.s32 $0x7530, v2;
	v2 =	vmov v4;
	v4 =	vmov v7;
	[tilespmem:v7+s17+$0x0] =	vst.idx.add.f32.msk $0xffff, v9  }
.Ltmp3:
0xa8: {  	v11 =	vld.idx.msk [tilespmem:v17+s5+$0x0], $0xffff;
	(pc) =	sbr.rel @p0 .LBB2_9-.Ltmp3, $4  }
0xa9: {  	v10 =	vadd.s32 $0x4E20, v2;
	v7 =	vld [tilespmem:s22+$0x1B700]  }
0xaa: {  	v9 =	vadd.s32 $0x7530, v6;
	v6 =	vmovc v8;
	v8 =	vmovc v16;
	v17 =	vmul.f32 v14, v1;
	v1 =	vmov v3;
	v13 =	vld.idx.msk [tilespmem:v16+s5+$0x0], $0xffff  }
0xab: {  	v12 =	vadd.s32 $0x2710, v4;
	v3 =	vmov v5;
	v5 =	vld [tilespmem:s22+$0x1D680]  }
0xac: {  	v15 =	vadd.s32 $0x4E20, v6;
	s22 =	sshra.s32 s23, $0x2;
	s23 =	sadd.s32 $0x40, s23;
	v14 =	vmul.f32 v18, v1;
	[tilespmem:v19+s17+$0x0] =	vst.idx.add.f32.msk $0xffff, v17  }
0xad: {  	v16 =	vld [tilespmem:s22+$0x19780];
	_ =	sdelay $0x5  }
0xae: {  	v17 =	vld [tilespmem:s22+$0x1B700]  }
0xaf: {  	v19 =	vld [tilespmem:s22+$0x1D680]  }
0xb0: {  	v18 =	vld.idx.msk [tilespmem:v16+s5+$0x0], $0xffff  }
0xb1: {  	v20 =	vadd.s32 $0x2710, v8;
	_ =	sdelay $0x1  }
0xb2: {  	v13 =	vmul.f32 v13, v5;
	v21 =	vadd.s32 $0x2710, v16;
	_ =	sdelay $0x1  }
0xb3: {  	[tilespmem:v7+s17+$0x0] =	vst.idx.add.f32.msk $0xffff, v13;
	v43 =	vmul.f32 v18, v19  }
0xb4: {  	v44 =	vld.idx.msk [tilespmem:v20+s5+$0x0], $0xffff  }
0xb5: {  	[tilespmem:v17+s17+$0x0] =	vst.idx.add.f32.msk $0xffff, v43  }
0xb6: {  	v45 =	vadd.s32 $0x2710, v7;
	v46 =	vld.idx.msk [tilespmem:v21+s5+$0x0], $0xffff  }
0xb7: {  	v11 =	vmul.f32 v11, v3;
	v47 =	vadd.s32 $0x4E20, v8  }
0xb8: {  	v48 =	vadd.s32 $0x2710, v17  }
0xb9: {  	[tilespmem:v12+s17+$0x0] =	vst.idx.add.f32.msk $0xffff, v11;
	v50 =	vadd.s32 $0x4E20, v16;
	v49 =	vmul.f32 v44, v5  }
0xba: {  	v12 =	vld.idx.msk [tilespmem:v15+s5+$0x0], $0xffff  }
0xbb: {  	[tilespmem:v45+s17+$0x0] =	vst.idx.add.f32.msk $0xffff, v49;
	v52 =	vmul.f32 v46, v19  }
0xbc: {  	v51 =	vadd.s32 $0x4E20, v4;
	v53 =	vld.idx.msk [tilespmem:v47+s5+$0x0], $0xffff  }
0xbd: {  	v6 =	vadd.s32 $0x7530, v6;
	[tilespmem:v48+s17+$0x0] =	vst.idx.add.f32.msk $0xffff, v52  }
0xbe: {  	v55 =	vadd.s32 $0x4E20, v7;
	v15 =	vld.idx.msk [tilespmem:v50+s5+$0x0], $0xffff  }
0xbf: {  	v56 =	vadd.s32 $0x7530, v8;
	[tilespmem:v10+s17+$0x0] =	vst.idx.add.f32.msk $0xffff, v14;
	v54 =	vmul.f32 v12, v3  }
0xc0: {  	v9 =	vld.idx.msk [tilespmem:v9+s5+$0x0], $0xffff;
	v57 =	vadd.s32 $0x4E20, v17  }
0xc1: {  	v59 =	vadd.s32 $0x7530, v16;
	[tilespmem:v51+s17+$0x0] =	vst.idx.add.f32.msk $0xffff, v54;
	v58 =	vmul.f32 v53, v5  }
0xc2: {  	v6 =	vld.idx.msk [tilespmem:v6+s5+$0x0], $0xffff  }
0xc3: {  	[tilespmem:v55+s17+$0x0] =	vst.idx.add.f32.msk $0xffff, v58;
	v60 =	vmul.f32 v15, v19  }
0xc4: {  	v8 =	vld.idx.msk [tilespmem:v56+s5+$0x0], $0xffff  }
0xc5: {  	v2 =	vadd.s32 $0x7530, v2;
	[tilespmem:v57+s17+$0x0] =	vst.idx.add.f32.msk $0xffff, v60  }
0xc6: {  	v61 =	vadd.s32 $0x7530, v4;
	v10 =	vld.idx.msk [tilespmem:v59+s5+$0x0], $0xffff  }
0xc7: {  	s21 =	sadd.s32 $0x1, s21;
	v62 =	vadd.s32 $0x7530, v7  }
0xc8: {  	p0 =	sne.s32 s21, $0x14;
	v63 =	vadd.s32 $0x7530, v17;
	v1 =	vmul.f32 v9, v1  }
.Ltmp4:
0xc9: {  	v3 =	vmul.f32 v6, v3;
	(pc) =	sbr.rel @p0 .LBB2_6-.Ltmp4, $4  }
0xca: {  	[tilespmem:v2+s17+$0x0] =	vst.idx.add.f32.msk $0xffff, v1;
	v1 =	vmul.f32 v8, v5  }
0xcb: {  	[tilespmem:v61+s17+$0x0] =	vst.idx.add.f32.msk $0xffff, v3;
	v2 =	vmul.f32 v10, v19  }
0xcc: {  	[tilespmem:v62+s17+$0x0] =	vst.idx.add.f32.msk $0xffff, v1  }
0xcd: {  	[tilespmem:v63+s17+$0x0] =	vst.idx.add.f32.msk $0xffff, v2  }
0xce: {  	s19 =	sadd.s32 $0x1, s19  }
0xcf: {  	p0 =	sne.s32 s19, s8  }
.Ltmp5:
0xd0: {  	_ = 	snop;
	(pc) =	sbr.rel @p0 .LBB2_1-.Ltmp5, $4  }
0xd1: {  	[hbm4b:s7+s5] =	stream.linear.scatter [tilespmem:s17], [sflag:$0x3], $0x9C40, $0x38;
	[tilespmem:$0x1F600] =	vst v63  }
0xd2: {  	_ =	swait.ge [sflag:s18], $0x9C40  }
0xd3: {  	[sflag:s18] =	ssyncset.done $0x0  }
0xd4: {  	[sflag:s18] =	ssyncadd.s32 $0xFFFF63C0  }
0xd5: {  	_ =	sfence.sel $0x180000  }
0xd6: {  	[bflag:$0x0] =	sbarrier.arrive $0xFFFF  }
0xd7: {  	p0 =	sne.s32 s0, $0x0;
	_ =	strace $0x90000047  }
0xd8: {  	s0 =	sadd.s32 @!p0 $0x100000, s3;
	[bflag:$0x2] =	sbarrier.arrive $0xFFFF  }
0xd9: {  	[sflag:s0] =	ssyncadd.tile.s32 @!p0 $0x1;
	_ =	shalt  }
.Lfunc_end2:
_tile_overlayer_lowered:
.L_overlay_start_2:
0xda: {  	(tag) =	ssettag $0x2  }
0xdb: {  	s0 =	rddreg [dreg:$0x0];
	s2 =	stileid.u32  }
0xdc: {  	s1 =	rddreg [dreg:$0x1];
	p0 =	sne.s32 s2, $0x0  }
0xdd: {  	s3 =	rddreg [dreg:$0x2];
	[bflag:$0x3] =	sbarrier.arrive $0xFFFF;
	s2 =	simm.s32 @!p0 $0x1C03  }
0xde: {  	[timem:s3], [sflag:s2] =	dma.local @!p0 [hbm:s0], s1  }
0xdf: {  	s0 =	simm.s32 @!p0 $0x3  }
0xe0: {  	_ =	swait.ge @!p0 [sflag:s0], s1  }
0xe1: {  	s1 =	ssub.s32 @!p0 $0x0, s1;
	[sflag:s0] =	ssyncset.done @!p0 $0x0  }
0xe2: {  	[sflag:s0] =	ssyncadd.s32 @!p0 s1  }
0xe3: {  	[bflag:$0x3] =	sbarrier.arrive $0xFFFF  }
0xe4: {  	_ =	shalt  }

</sc_bundles>
